<compile_context>
chip_gen: v7x
topology: tpu7x:2x2x1
jax: 0.10.2.dev20260603
libtpu: 0.0.44.dev20260713+nightly
codegen_flags: <defaults>
</compile_context>

<pallas_src>
import jax
import jax.numpy as jnp
from jax.experimental import pallas as pl
from jax.experimental.pallas import tpu as pltpu

NBINS = 256
H = 512
W = 512
HW = H * W
ROWS = 8
COLS = HW // ROWS
NCHUNK = 4
CH = COLS // NCHUNK


def _otsu_body(g_ref, out_ref):
    gray = g_ref[0]

    gmin = jnp.min(gray)
    gmax = jnp.max(gray)
    scale = NBINS / jnp.maximum(gmax - gmin, 1e-12)
    idx = jnp.clip(((gray - gmin) * scale).astype(jnp.int32), 0, NBINS - 1)
    hi = idx // 16
    lo = idx - hi * 16

    k3 = jax.lax.broadcasted_iota(jnp.int32, (ROWS, 16, CH), 1)
    big = jnp.zeros((ROWS * 16, ROWS * 16), jnp.float32)
    for c in range(NCHUNK):
        hi_c = hi[:, c * CH:(c + 1) * CH]
        lo_c = lo[:, c * CH:(c + 1) * CH]
        oh_hi = (hi_c[:, None, :] == k3).astype(jnp.bfloat16).reshape(ROWS * 16, CH)
        oh_lo = (lo_c[:, None, :] == k3).astype(jnp.bfloat16).reshape(ROWS * 16, CH)
        big = big + jax.lax.dot_general(
            oh_hi, oh_lo, (((1,), (1,)), ((), ())),
            preferred_element_type=jnp.float32)
    hist2d = jnp.zeros((16, 16), jnp.float32)
    for rr in range(ROWS):
        hist2d = hist2d + big[rr * 16:(rr + 1) * 16, rr * 16:(rr + 1) * 16]

    a_i = jax.lax.broadcasted_iota(jnp.int32, (16, 16), 0)
    b_j = jax.lax.broadcasted_iota(jnp.int32, (16, 16), 1)
    le16 = (a_i <= b_j).astype(jnp.float32)
    lt16 = (a_i < b_j).astype(jnp.float32)
    ones16 = jnp.ones((16, 16), jnp.float32)
    f = a_i * 16 + b_j
    centers = gmin + (f.astype(jnp.float32) + 0.5) / scale
    wc = hist2d * centers

    def flat_cumsum(m):
        pref = jax.lax.dot_general(m, le16, (((1,), (0,)), ((), ())),
                                   preferred_element_type=jnp.float32,
                                   precision=jax.lax.Precision.HIGHEST)
        rows = jax.lax.dot_general(m, ones16, (((1,), (0,)), ((), ())),
                                   preferred_element_type=jnp.float32,
                                   precision=jax.lax.Precision.HIGHEST)
        prev = jax.lax.dot_general(lt16, rows, (((0,), (0,)), ((), ())),
                                   preferred_element_type=jnp.float32,
                                   precision=jax.lax.Precision.HIGHEST)
        return pref + prev

    w1 = flat_cumsum(hist2d)
    c1 = flat_cumsum(wc)
    total_w = jnp.sum(hist2d)
    total_c = jnp.sum(wc)

    w2p = total_w - w1
    m1 = c1 / jnp.maximum(w1, 1e-12)
    m2 = (total_c - c1) / jnp.maximum(w2p, 1e-12)
    var12 = w1 * w2p * (m1 - m2) ** 2
    var12 = jnp.where(f < NBINS - 1, var12, -1.0)
    maxv = jnp.max(var12)
    arg = jnp.min(jnp.where(var12 == maxv, f, NBINS))
    thr = jnp.max(jnp.where(f == arg, centers, -jnp.inf))

    out_ref[0] = jnp.where(gray > thr, 255.0, 0.0)


def kernel(inputs):
    bsz = inputs.shape[0]
    wvec = jnp.array([0.2989, 0.587, 0.114], dtype=inputs.dtype)
    gray = jnp.tensordot(inputs, wvec, axes=[[-1], [0]])
    binary = pl.pallas_call(
        _otsu_body,
        grid=(bsz,),
        in_specs=[pl.BlockSpec((1, ROWS, COLS), lambda i: (i, 0, 0))],
        out_specs=pl.BlockSpec((1, ROWS, COLS), lambda i: (i, 0, 0)),
        out_shape=jax.ShapeDtypeStruct((bsz, ROWS, COLS), jnp.float32),
    )(gray.reshape(bsz, ROWS, COLS))
    binary = binary.reshape(bsz, H, W)
    return jnp.repeat(binary[..., None], 3, axis=-1)

# --- scband reference (transcript-rebuilt; emitter-appended) ---
"""Pipeline reference for scband-otsu-threshold-layer-8873402433666 (READ-ONLY COPY).

The authoritative reference and input builder live on the scoring server;
editing this copy changes nothing except your own understanding.
"""

import jax, jax.numpy as jnp
import numpy as np

NUM_BINS = 256


def setup_inputs(seed: int = 0) -> dict:
    key = jax.random.key(seed)
    inputs = jax.random.uniform(key, (32, 512, 512, 3), dtype=jnp.float32)
    return {"inputs": inputs}


def reference(inputs):
    # tf.image.rgb_to_grayscale: ITU-R 601 luma weights
    w = jnp.array([0.2989, 0.587, 0.114], dtype=inputs.dtype)
    gray = jnp.tensordot(inputs, w, axes=[[-1], [0]])  # [B, H, W]
    B = gray.shape[0]
    flat = gray.reshape(B, -1)

    # skimage-style threshold_otsu: 256-bin histogram over [min, max] per image
    gmin = jnp.min(flat, axis=1, keepdims=True)  # [B,1]
    gmax = jnp.max(flat, axis=1, keepdims=True)  # [B,1]
    scale = NUM_BINS / jnp.maximum(gmax - gmin, 1e-12)  # [B,1]
    bin_idx = jnp.clip(((flat - gmin) * scale).astype(jnp.int32), 0, NUM_BINS - 1)  # [B, HW]
    batch_idx = jnp.broadcast_to(jnp.arange(B)[:, None], bin_idx.shape)
    hist = jnp.zeros((B, NUM_BINS), jnp.float32).at[
        batch_idx.reshape(-1), bin_idx.reshape(-1)
    ].add(1.0)  # scatter-add histogram

    # per-image bin centers: gmin + (i + 0.5) / scale
    centers = gmin + (jnp.arange(NUM_BINS, dtype=jnp.float32)[None, :] + 0.5) / scale  # [B, 256]

    wc = hist * centers
    w1 = jnp.cumsum(hist, axis=1)
    c1 = jnp.cumsum(wc, axis=1)
    total_w = w1[:, -1:]
    total_c = c1[:, -1:]

    w1m = w1[:, :-1]
    c1m = c1[:, :-1]
    w2p = total_w - w1m  # weight2 shifted by one (skimage weight2[1:])
    m1 = c1m / jnp.maximum(w1m, 1e-12)
    m2 = (total_c - c1m) / jnp.maximum(w2p, 1e-12)
    var12 = w1m * w2p * (m1 - m2) ** 2  # between-class variance
    idx = jnp.argmax(var12, axis=1)  # [B]
    thr = jnp.take_along_axis(centers, idx[:, None], axis=1)  # [B,1] bin_centers[:-1][argmax]

    # tf.where(gray > threshold, 255, 0), then grayscale_to_rgb
    binary = jnp.where(gray > thr.reshape(B, 1, 1), 255.0, 0.0)  # [B,H,W]
    out = jnp.repeat(binary[..., None], 3, axis=-1)  # [B,H,W,3]
    return out

if __name__ == "__main__":
    import jax
    _d = setup_inputs()
    print(jax.jit(kernel)(*tuple(_d.values())))

</pallas_src>

<mosaic_0001>
module attributes {stable_mosaic.version = 14 : i64} {
  func.func @_otsu_body(%arg0: i32, %arg1: memref<1x8x32768xf32, #tpu.memory_space<vmem>>, %arg2: memref<1x8x32768xf32, #tpu.memory_space<vmem>>) attributes {dimension_semantics = [#tpu.dimension_semantics<arbitrary>], iteration_bounds = array<i64: 32>, scalar_prefetch = 0 : i64, scratch_operands = 0 : i64, tpu.core_type = #tpu.core_type<tc>, window_params = [{transform_indices = @transform_0, window_bounds = array<i64: 1, 8, 32768>}, {transform_indices = @transform_1, window_bounds = array<i64: 1, 8, 32768>}]} {
    %get3A = arith.constant 0 : index
    %get3A_0 = arith.constant 0 : index
    %get3A_1 = arith.constant 0 : index
    %get3A_2 = vector.load %arg1[%get3A, %get3A_0, %get3A_1] : memref<1x8x32768xf32, #tpu.memory_space<vmem>>, vector<1x8x32768xf32>
    %get3A_3 = vector.shape_cast %get3A_2 : vector<1x8x32768xf32> to vector<8x32768xf32>
    %reduce_min3A = vector.shape_cast %get3A_3 : vector<8x32768xf32> to vector<1x8x32768xf32>
    %reduce_min3A_4 = arith.constant dense<0x7F800000> : vector<1xf32>
    %reduce_min3A_5 = vector.multi_reduction <minimumf>, %reduce_min3A, %reduce_min3A_4 [1, 2] : vector<1x8x32768xf32> to vector<1xf32>
    %reduce_min3A_6 = vector.shape_cast %reduce_min3A_5 : vector<1xf32> to vector<1x1x1xf32>
    %reduce_min3A_7 = vector.extract %reduce_min3A_6[0, 0, 0] : f32 from vector<1x1x1xf32>
    %reduce_max3A = vector.shape_cast %get3A_3 : vector<8x32768xf32> to vector<1x8x32768xf32>
    %reduce_max3A_8 = arith.constant dense<0xFF800000> : vector<1xf32>
    %reduce_max3A_9 = vector.multi_reduction <maximumf>, %reduce_max3A, %reduce_max3A_8 [1, 2] : vector<1x8x32768xf32> to vector<1xf32>
    %reduce_max3A_10 = vector.shape_cast %reduce_max3A_9 : vector<1xf32> to vector<1x1x1xf32>
    %reduce_max3A_11 = vector.extract %reduce_max3A_10[0, 0, 0] : f32 from vector<1x1x1xf32>
    %sub3A = arith.subf %reduce_max3A_11, %reduce_min3A_7 : f32
    %max3A = arith.constant 9.99999996E-13 : f32
    %max3A_12 = arith.maximumf %sub3A, %max3A : f32
    %div3A = arith.constant 2.560000e+02 : f32
    %div3A_13 = arith.divf %div3A, %max3A_12 : f32
    %sub3A_14 = vector.broadcast %reduce_min3A_7 : f32 to vector<8x32768xf32>
    %sub3A_15 = arith.subf %get3A_3, %sub3A_14 : vector<8x32768xf32>
    %mul3A = vector.broadcast %div3A_13 : f32 to vector<8x32768xf32>
    %mul3A_16 = arith.mulf %sub3A_15, %mul3A : vector<8x32768xf32>
    %convert_element_type3A = arith.fptosi %mul3A_16 : vector<8x32768xf32> to vector<8x32768xi32>
    %jit3A = arith.constant 0 : i32
    %jit3A_17 = arith.constant 255 : i32
    %max3A_18 = vector.broadcast %jit3A : i32 to vector<8x32768xi32>
    %max3A_19 = arith.maxsi %max3A_18, %convert_element_type3A : vector<8x32768xi32>
    %min3A = vector.broadcast %jit3A_17 : i32 to vector<8x32768xi32>
    %min3A_20 = arith.minsi %min3A, %max3A_19 : vector<8x32768xi32>
    %jit3A_21 = arith.constant 16 : i32
    %div3A_22 = vector.broadcast %jit3A_21 : i32 to vector<8x32768xi32>
    %div3A_23 = arith.divsi %min3A_20, %div3A_22 : vector<8x32768xi32>
    %sign3A = arith.constant 0 : i32
    %sign3A_24 = vector.broadcast %sign3A : i32 to vector<8x32768xi32>
    %sign3A_25 = arith.cmpi sgt, %min3A_20, %sign3A_24 : vector<8x32768xi32>
    %sign3A_26 = arith.extui %sign3A_25 : vector<8x32768xi1> to vector<8x32768xi32>
    %sign3A_27 = arith.constant 0 : i32
    %sign3A_28 = vector.broadcast %sign3A_27 : i32 to vector<8x32768xi32>
    %sign3A_29 = arith.cmpi slt, %min3A_20, %sign3A_28 : vector<8x32768xi32>
    %sign3A_30 = arith.extui %sign3A_29 : vector<8x32768xi1> to vector<8x32768xi32>
    %sign3A_31 = arith.subi %sign3A_26, %sign3A_30 : vector<8x32768xi32>
    %sign3A_32 = arith.constant 0 : i32
    %sign3A_33 = arith.cmpi sgt, %jit3A_21, %sign3A_32 : i32
    %sign3A_34 = arith.extui %sign3A_33 : i1 to i32
    %sign3A_35 = arith.constant 0 : i32
    %sign3A_36 = arith.cmpi slt, %jit3A_21, %sign3A_35 : i32
    %sign3A_37 = arith.extui %sign3A_36 : i1 to i32
    %sign3A_38 = arith.subi %sign3A_34, %sign3A_37 : i32
    %ne3A = vector.broadcast %sign3A_38 : i32 to vector<8x32768xi32>
    %ne3A_39 = arith.cmpi ne, %sign3A_31, %ne3A : vector<8x32768xi32>
    %rem3A = vector.broadcast %jit3A_21 : i32 to vector<8x32768xi32>
    %rem3A_40 = arith.remsi %min3A_20, %rem3A : vector<8x32768xi32>
    %ne3A_41 = arith.constant 0 : i32
    %ne3A_42 = vector.broadcast %ne3A_41 : i32 to vector<8x32768xi32>
    %ne3A_43 = arith.cmpi ne, %rem3A_40, %ne3A_42 : vector<8x32768xi32>
    %and3A = arith.andi %ne3A_39, %ne3A_43 : vector<8x32768xi1>
    %sub3A_44 = arith.constant 1 : i32
    %sub3A_45 = vector.broadcast %sub3A_44 : i32 to vector<8x32768xi32>
    %sub3A_46 = arith.subi %div3A_23, %sub3A_45 : vector<8x32768xi32>
    %select_n3A = arith.select %and3A, %sub3A_46, %div3A_23 : vector<8x32768xi1>, vector<8x32768xi32>
    %mul3A_47 = arith.constant 16 : i32
    %mul3A_48 = vector.broadcast %mul3A_47 : i32 to vector<8x32768xi32>
    %mul3A_49 = arith.muli %select_n3A, %mul3A_48 : vector<8x32768xi32>
    %sub3A_50 = arith.subi %min3A_20, %mul3A_49 : vector<8x32768xi32>
    %iota3A = tpu.iota {dimensions = array<i32: 1>} : vector<8x16x8192xi32>
    %broadcast_in_dim3A = arith.constant 0.000000e+00 : f32
    %broadcast_in_dim3A_51 = vector.broadcast %broadcast_in_dim3A : f32 to vector<128x128xf32>
    %slice3A = vector.extract_strided_slice %select_n3A {offsets = [0, 0], sizes = [8, 8192], strides = [1, 1]} : vector<8x32768xi32> to vector<8x8192xi32>
    %slice3A_52 = vector.extract_strided_slice %sub3A_50 {offsets = [0, 0], sizes = [8, 8192], strides = [1, 1]} : vector<8x32768xi32> to vector<8x8192xi32>
    %broadcast_in_dim3A_53 = vector.shape_cast %slice3A : vector<8x8192xi32> to vector<8x1x8192xi32>
    %eq3A = vector.broadcast %broadcast_in_dim3A_53 : vector<8x1x8192xi32> to vector<8x16x8192xi32>
    %eq3A_54 = arith.cmpi eq, %eq3A, %iota3A : vector<8x16x8192xi32>
    %convert_element_type3A_55 = arith.extui %eq3A_54 : vector<8x16x8192xi1> to vector<8x16x8192xi32>
    %convert_element_type3A_56 = arith.sitofp %convert_element_type3A_55 : vector<8x16x8192xi32> to vector<8x16x8192xf32>
    %convert_element_type3A_57 = arith.truncf %convert_element_type3A_56 : vector<8x16x8192xf32> to vector<8x16x8192xbf16>
    %reshape3A = vector.shape_cast %convert_element_type3A_57 : vector<8x16x8192xbf16> to vector<128x8192xbf16>
    %broadcast_in_dim3A_58 = vector.shape_cast %slice3A_52 : vector<8x8192xi32> to vector<8x1x8192xi32>
    %eq3A_59 = vector.broadcast %broadcast_in_dim3A_58 : vector<8x1x8192xi32> to vector<8x16x8192xi32>
    %eq3A_60 = arith.cmpi eq, %eq3A_59, %iota3A : vector<8x16x8192xi32>
    %convert_element_type3A_61 = arith.extui %eq3A_60 : vector<8x16x8192xi1> to vector<8x16x8192xi32>
    %convert_element_type3A_62 = arith.sitofp %convert_element_type3A_61 : vector<8x16x8192xi32> to vector<8x16x8192xf32>
    %convert_element_type3A_63 = arith.truncf %convert_element_type3A_62 : vector<8x16x8192xf32> to vector<8x16x8192xbf16>
    %reshape3A_64 = vector.shape_cast %convert_element_type3A_63 : vector<8x16x8192xbf16> to vector<128x8192xbf16>
    %dot_general3A = arith.constant dense<0.000000e+00> : vector<128x128xf32>
    %dot_general3A_65 = tpu.matmul %reshape3A, %reshape3A_64, %dot_general3A {dimension_numbers = #tpu.dot_dimension_numbers<[1], [1], [0], [0], [0, 0, 1, 0], [], []>, transpose_lhs_hint = false} : vector<128x8192xbf16>, vector<128x8192xbf16>, vector<128x128xf32> -> vector<128x128xf32>
    %add3A = arith.addf %broadcast_in_dim3A_51, %dot_general3A_65 : vector<128x128xf32>
    %slice3A_66 = vector.extract_strided_slice %select_n3A {offsets = [0, 8192], sizes = [8, 8192], strides = [1, 1]} : vector<8x32768xi32> to vector<8x8192xi32>
    %slice3A_67 = vector.extract_strided_slice %sub3A_50 {offsets = [0, 8192], sizes = [8, 8192], strides = [1, 1]} : vector<8x32768xi32> to vector<8x8192xi32>
    %broadcast_in_dim3A_68 = vector.shape_cast %slice3A_66 : vector<8x8192xi32> to vector<8x1x8192xi32>
    %eq3A_69 = vector.broadcast %broadcast_in_dim3A_68 : vector<8x1x8192xi32> to vector<8x16x8192xi32>
    %eq3A_70 = arith.cmpi eq, %eq3A_69, %iota3A : vector<8x16x8192xi32>
    %convert_element_type3A_71 = arith.extui %eq3A_70 : vector<8x16x8192xi1> to vector<8x16x8192xi32>
    %convert_element_type3A_72 = arith.sitofp %convert_element_type3A_71 : vector<8x16x8192xi32> to vector<8x16x8192xf32>
    %convert_element_type3A_73 = arith.truncf %convert_element_type3A_72 : vector<8x16x8192xf32> to vector<8x16x8192xbf16>
    %reshape3A_74 = vector.shape_cast %convert_element_type3A_73 : vector<8x16x8192xbf16> to vector<128x8192xbf16>
    %broadcast_in_dim3A_75 = vector.shape_cast %slice3A_67 : vector<8x8192xi32> to vector<8x1x8192xi32>
    %eq3A_76 = vector.broadcast %broadcast_in_dim3A_75 : vector<8x1x8192xi32> to vector<8x16x8192xi32>
    %eq3A_77 = arith.cmpi eq, %eq3A_76, %iota3A : vector<8x16x8192xi32>
    %convert_element_type3A_78 = arith.extui %eq3A_77 : vector<8x16x8192xi1> to vector<8x16x8192xi32>
    %convert_element_type3A_79 = arith.sitofp %convert_element_type3A_78 : vector<8x16x8192xi32> to vector<8x16x8192xf32>
    %convert_element_type3A_80 = arith.truncf %convert_element_type3A_79 : vector<8x16x8192xf32> to vector<8x16x8192xbf16>
    %reshape3A_81 = vector.shape_cast %convert_element_type3A_80 : vector<8x16x8192xbf16> to vector<128x8192xbf16>
    %dot_general3A_82 = arith.constant dense<0.000000e+00> : vector<128x128xf32>
    %dot_general3A_83 = tpu.matmul %reshape3A_74, %reshape3A_81, %dot_general3A_82 {dimension_numbers = #tpu.dot_dimension_numbers<[1], [1], [0], [0], [0, 0, 1, 0], [], []>, transpose_lhs_hint = false} : vector<128x8192xbf16>, vector<128x8192xbf16>, vector<128x128xf32> -> vector<128x128xf32>
    %add3A_84 = arith.addf %add3A, %dot_general3A_83 : vector<128x128xf32>
    %slice3A_85 = vector.extract_strided_slice %select_n3A {offsets = [0, 16384], sizes = [8, 8192], strides = [1, 1]} : vector<8x32768xi32> to vector<8x8192xi32>
    %slice3A_86 = vector.extract_strided_slice %sub3A_50 {offsets = [0, 16384], sizes = [8, 8192], strides = [1, 1]} : vector<8x32768xi32> to vector<8x8192xi32>
    %broadcast_in_dim3A_87 = vector.shape_cast %slice3A_85 : vector<8x8192xi32> to vector<8x1x8192xi32>
    %eq3A_88 = vector.broadcast %broadcast_in_dim3A_87 : vector<8x1x8192xi32> to vector<8x16x8192xi32>
    %eq3A_89 = arith.cmpi eq, %eq3A_88, %iota3A : vector<8x16x8192xi32>
    %convert_element_type3A_90 = arith.extui %eq3A_89 : vector<8x16x8192xi1> to vector<8x16x8192xi32>
    %convert_element_type3A_91 = arith.sitofp %convert_element_type3A_90 : vector<8x16x8192xi32> to vector<8x16x8192xf32>
    %convert_element_type3A_92 = arith.truncf %convert_element_type3A_91 : vector<8x16x8192xf32> to vector<8x16x8192xbf16>
    %reshape3A_93 = vector.shape_cast %convert_element_type3A_92 : vector<8x16x8192xbf16> to vector<128x8192xbf16>
    %broadcast_in_dim3A_94 = vector.shape_cast %slice3A_86 : vector<8x8192xi32> to vector<8x1x8192xi32>
    %eq3A_95 = vector.broadcast %broadcast_in_dim3A_94 : vector<8x1x8192xi32> to vector<8x16x8192xi32>
    %eq3A_96 = arith.cmpi eq, %eq3A_95, %iota3A : vector<8x16x8192xi32>
    %convert_element_type3A_97 = arith.extui %eq3A_96 : vector<8x16x8192xi1> to vector<8x16x8192xi32>
    %convert_element_type3A_98 = arith.sitofp %convert_element_type3A_97 : vector<8x16x8192xi32> to vector<8x16x8192xf32>
    %convert_element_type3A_99 = arith.truncf %convert_element_type3A_98 : vector<8x16x8192xf32> to vector<8x16x8192xbf16>
    %reshape3A_100 = vector.shape_cast %convert_element_type3A_99 : vector<8x16x8192xbf16> to vector<128x8192xbf16>
    %dot_general3A_101 = arith.constant dense<0.000000e+00> : vector<128x128xf32>
    %dot_general3A_102 = tpu.matmul %reshape3A_93, %reshape3A_100, %dot_general3A_101 {dimension_numbers = #tpu.dot_dimension_numbers<[1], [1], [0], [0], [0, 0, 1, 0], [], []>, transpose_lhs_hint = false} : vector<128x8192xbf16>, vector<128x8192xbf16>, vector<128x128xf32> -> vector<128x128xf32>
    %add3A_103 = arith.addf %add3A_84, %dot_general3A_102 : vector<128x128xf32>
    %slice3A_104 = vector.extract_strided_slice %select_n3A {offsets = [0, 24576], sizes = [8, 8192], strides = [1, 1]} : vector<8x32768xi32> to vector<8x8192xi32>
    %slice3A_105 = vector.extract_strided_slice %sub3A_50 {offsets = [0, 24576], sizes = [8, 8192], strides = [1, 1]} : vector<8x32768xi32> to vector<8x8192xi32>
    %broadcast_in_dim3A_106 = vector.shape_cast %slice3A_104 : vector<8x8192xi32> to vector<8x1x8192xi32>
    %eq3A_107 = vector.broadcast %broadcast_in_dim3A_106 : vector<8x1x8192xi32> to vector<8x16x8192xi32>
    %eq3A_108 = arith.cmpi eq, %eq3A_107, %iota3A : vector<8x16x8192xi32>
    %convert_element_type3A_109 = arith.extui %eq3A_108 : vector<8x16x8192xi1> to vector<8x16x8192xi32>
    %convert_element_type3A_110 = arith.sitofp %convert_element_type3A_109 : vector<8x16x8192xi32> to vector<8x16x8192xf32>
    %convert_element_type3A_111 = arith.truncf %convert_element_type3A_110 : vector<8x16x8192xf32> to vector<8x16x8192xbf16>
    %reshape3A_112 = vector.shape_cast %convert_element_type3A_111 : vector<8x16x8192xbf16> to vector<128x8192xbf16>
    %broadcast_in_dim3A_113 = vector.shape_cast %slice3A_105 : vector<8x8192xi32> to vector<8x1x8192xi32>
    %eq3A_114 = vector.broadcast %broadcast_in_dim3A_113 : vector<8x1x8192xi32> to vector<8x16x8192xi32>
    %eq3A_115 = arith.cmpi eq, %eq3A_114, %iota3A : vector<8x16x8192xi32>
    %convert_element_type3A_116 = arith.extui %eq3A_115 : vector<8x16x8192xi1> to vector<8x16x8192xi32>
    %convert_element_type3A_117 = arith.sitofp %convert_element_type3A_116 : vector<8x16x8192xi32> to vector<8x16x8192xf32>
    %convert_element_type3A_118 = arith.truncf %convert_element_type3A_117 : vector<8x16x8192xf32> to vector<8x16x8192xbf16>
    %reshape3A_119 = vector.shape_cast %convert_element_type3A_118 : vector<8x16x8192xbf16> to vector<128x8192xbf16>
    %dot_general3A_120 = arith.constant dense<0.000000e+00> : vector<128x128xf32>
    %dot_general3A_121 = tpu.matmul %reshape3A_112, %reshape3A_119, %dot_general3A_120 {dimension_numbers = #tpu.dot_dimension_numbers<[1], [1], [0], [0], [0, 0, 1, 0], [], []>, transpose_lhs_hint = false} : vector<128x8192xbf16>, vector<128x8192xbf16>, vector<128x128xf32> -> vector<128x128xf32>
    %add3A_122 = arith.addf %add3A_103, %dot_general3A_121 : vector<128x128xf32>
    %broadcast_in_dim3A_123 = arith.constant 0.000000e+00 : f32
    %broadcast_in_dim3A_124 = vector.broadcast %broadcast_in_dim3A_123 : f32 to vector<16x16xf32>
    %slice3A_125 = vector.extract_strided_slice %add3A_122 {offsets = [0, 0], sizes = [16, 16], strides = [1, 1]} : vector<128x128xf32> to vector<16x16xf32>
    %add3A_126 = arith.addf %broadcast_in_dim3A_124, %slice3A_125 : vector<16x16xf32>
    %slice3A_127 = vector.extract_strided_slice %add3A_122 {offsets = [16, 16], sizes = [16, 16], strides = [1, 1]} : vector<128x128xf32> to vector<16x16xf32>
    %add3A_128 = arith.addf %add3A_126, %slice3A_127 : vector<16x16xf32>
    %slice3A_129 = vector.extract_strided_slice %add3A_122 {offsets = [32, 32], sizes = [16, 16], strides = [1, 1]} : vector<128x128xf32> to vector<16x16xf32>
    %add3A_130 = arith.addf %add3A_128, %slice3A_129 : vector<16x16xf32>
    %slice3A_131 = vector.extract_strided_slice %add3A_122 {offsets = [48, 48], sizes = [16, 16], strides = [1, 1]} : vector<128x128xf32> to vector<16x16xf32>
    %add3A_132 = arith.addf %add3A_130, %slice3A_131 : vector<16x16xf32>
    %slice3A_133 = vector.extract_strided_slice %add3A_122 {offsets = [64, 64], sizes = [16, 16], strides = [1, 1]} : vector<128x128xf32> to vector<16x16xf32>
    %add3A_134 = arith.addf %add3A_132, %slice3A_133 : vector<16x16xf32>
    %slice3A_135 = vector.extract_strided_slice %add3A_122 {offsets = [80, 80], sizes = [16, 16], strides = [1, 1]} : vector<128x128xf32> to vector<16x16xf32>
    %add3A_136 = arith.addf %add3A_134, %slice3A_135 : vector<16x16xf32>
    %slice3A_137 = vector.extract_strided_slice %add3A_122 {offsets = [96, 96], sizes = [16, 16], strides = [1, 1]} : vector<128x128xf32> to vector<16x16xf32>
    %add3A_138 = arith.addf %add3A_136, %slice3A_137 : vector<16x16xf32>
    %slice3A_139 = vector.extract_strided_slice %add3A_122 {offsets = [112, 112], sizes = [16, 16], strides = [1, 1]} : vector<128x128xf32> to vector<16x16xf32>
    %add3A_140 = arith.addf %add3A_138, %slice3A_139 : vector<16x16xf32>
    %iota3A_141 = tpu.iota {dimensions = array<i32: 0>} : vector<16x16xi32>
    %iota3A_142 = tpu.iota {dimensions = array<i32: 1>} : vector<16x16xi32>
    %le3A = arith.cmpi sle, %iota3A_141, %iota3A_142 : vector<16x16xi32>
    %convert_element_type3A_143 = arith.extui %le3A : vector<16x16xi1> to vector<16x16xi32>
    %convert_element_type3A_144 = arith.sitofp %convert_element_type3A_143 : vector<16x16xi32> to vector<16x16xf32>
    %lt3A = arith.cmpi slt, %iota3A_141, %iota3A_142 : vector<16x16xi32>
    %convert_element_type3A_145 = arith.extui %lt3A : vector<16x16xi1> to vector<16x16xi32>
    %convert_element_type3A_146 = arith.sitofp %convert_element_type3A_145 : vector<16x16xi32> to vector<16x16xf32>
    %broadcast_in_dim3A_147 = arith.constant 1.000000e+00 : f32
    %broadcast_in_dim3A_148 = vector.broadcast %broadcast_in_dim3A_147 : f32 to vector<16x16xf32>
    %mul3A_149 = arith.constant 16 : i32
    %mul3A_150 = vector.broadcast %mul3A_149 : i32 to vector<16x16xi32>
    %mul3A_151 = arith.muli %iota3A_141, %mul3A_150 : vector<16x16xi32>
    %add3A_152 = arith.addi %mul3A_151, %iota3A_142 : vector<16x16xi32>
    %convert_element_type3A_153 = arith.sitofp %add3A_152 : vector<16x16xi32> to vector<16x16xf32>
    %add3A_154 = arith.constant 5.000000e-01 : f32
    %add3A_155 = vector.broadcast %add3A_154 : f32 to vector<16x16xf32>
    %add3A_156 = arith.addf %convert_element_type3A_153, %add3A_155 : vector<16x16xf32>
    %div3A_157 = vector.broadcast %div3A_13 : f32 to vector<16x16xf32>
    %div3A_158 = arith.divf %add3A_156, %div3A_157 : vector<16x16xf32>
    %add3A_159 = vector.broadcast %reduce_min3A_7 : f32 to vector<16x16xf32>
    %add3A_160 = arith.addf %add3A_159, %div3A_158 : vector<16x16xf32>
    %mul3A_161 = arith.mulf %add3A_140, %add3A_160 : vector<16x16xf32>
    %dot_general3A_162 = arith.constant dense<0.000000e+00> : vector<16x16xf32>
    %dot_general3A_163 = tpu.matmul %add3A_140, %convert_element_type3A_144, %dot_general3A_162 {dimension_numbers = #tpu.dot_dimension_numbers<[1], [0], [0], [1], [0, 0, 1, 1], [], []>, precision = #tpu.contract_precision<fp32>, transpose_lhs_hint = false} : vector<16x16xf32>, vector<16x16xf32>, vector<16x16xf32> -> vector<16x16xf32>
    %dot_general3A_164 = arith.constant dense<0.000000e+00> : vector<16x16xf32>
    %dot_general3A_165 = tpu.matmul %add3A_140, %broadcast_in_dim3A_148, %dot_general3A_164 {dimension_numbers = #tpu.dot_dimension_numbers<[1], [0], [0], [1], [0, 0, 1, 1], [], []>, precision = #tpu.contract_precision<fp32>, transpose_lhs_hint = false} : vector<16x16xf32>, vector<16x16xf32>, vector<16x16xf32> -> vector<16x16xf32>
    %dot_general3A_166 = arith.constant dense<0.000000e+00> : vector<16x16xf32>
    %dot_general3A_167 = tpu.matmul %convert_element_type3A_146, %dot_general3A_165, %dot_general3A_166 {dimension_numbers = #tpu.dot_dimension_numbers<[0], [0], [1], [1], [0, 1, 1, 1], [], []>, precision = #tpu.contract_precision<fp32>, transpose_lhs_hint = false} : vector<16x16xf32>, vector<16x16xf32>, vector<16x16xf32> -> vector<16x16xf32>
    %add3A_168 = arith.addf %dot_general3A_163, %dot_general3A_167 : vector<16x16xf32>
    %dot_general3A_169 = arith.constant dense<0.000000e+00> : vector<16x16xf32>
    %dot_general3A_170 = tpu.matmul %mul3A_161, %convert_element_type3A_144, %dot_general3A_169 {dimension_numbers = #tpu.dot_dimension_numbers<[1], [0], [0], [1], [0, 0, 1, 1], [], []>, precision = #tpu.contract_precision<fp32>, transpose_lhs_hint = false} : vector<16x16xf32>, vector<16x16xf32>, vector<16x16xf32> -> vector<16x16xf32>
    %dot_general3A_171 = arith.constant dense<0.000000e+00> : vector<16x16xf32>
    %dot_general3A_172 = tpu.matmul %mul3A_161, %broadcast_in_dim3A_148, %dot_general3A_171 {dimension_numbers = #tpu.dot_dimension_numbers<[1], [0], [0], [1], [0, 0, 1, 1], [], []>, precision = #tpu.contract_precision<fp32>, transpose_lhs_hint = false} : vector<16x16xf32>, vector<16x16xf32>, vector<16x16xf32> -> vector<16x16xf32>
    %dot_general3A_173 = arith.constant dense<0.000000e+00> : vector<16x16xf32>
    %dot_general3A_174 = tpu.matmul %convert_element_type3A_146, %dot_general3A_172, %dot_general3A_173 {dimension_numbers = #tpu.dot_dimension_numbers<[0], [0], [1], [1], [0, 1, 1, 1], [], []>, precision = #tpu.contract_precision<fp32>, transpose_lhs_hint = false} : vector<16x16xf32>, vector<16x16xf32>, vector<16x16xf32> -> vector<16x16xf32>
    %add3A_175 = arith.addf %dot_general3A_170, %dot_general3A_174 : vector<16x16xf32>
    %reduce_sum3A = vector.shape_cast %add3A_140 : vector<16x16xf32> to vector<1x16x16xf32>
    %reduce_sum3A_176 = arith.constant dense<0.000000e+00> : vector<1xf32>
    %reduce_sum3A_177 = vector.multi_reduction <add>, %reduce_sum3A, %reduce_sum3A_176 [1, 2] : vector<1x16x16xf32> to vector<1xf32>
    %reduce_sum3A_178 = vector.shape_cast %reduce_sum3A_177 : vector<1xf32> to vector<1x1x1xf32>
    %reduce_sum3A_179 = vector.extract %reduce_sum3A_178[0, 0, 0] : f32 from vector<1x1x1xf32>
    %reduce_sum3A_180 = vector.shape_cast %mul3A_161 : vector<16x16xf32> to vector<1x16x16xf32>
    %reduce_sum3A_181 = arith.constant dense<0.000000e+00> : vector<1xf32>
    %reduce_sum3A_182 = vector.multi_reduction <add>, %reduce_sum3A_180, %reduce_sum3A_181 [1, 2] : vector<1x16x16xf32> to vector<1xf32>
    %reduce_sum3A_183 = vector.shape_cast %reduce_sum3A_182 : vector<1xf32> to vector<1x1x1xf32>
    %reduce_sum3A_184 = vector.extract %reduce_sum3A_183[0, 0, 0] : f32 from vector<1x1x1xf32>
    %sub3A_185 = vector.broadcast %reduce_sum3A_179 : f32 to vector<16x16xf32>
    %sub3A_186 = arith.subf %sub3A_185, %add3A_168 : vector<16x16xf32>
    %max3A_187 = arith.constant 9.99999996E-13 : f32
    %max3A_188 = vector.broadcast %max3A_187 : f32 to vector<16x16xf32>
    %max3A_189 = arith.maximumf %add3A_168, %max3A_188 : vector<16x16xf32>
    %div3A_190 = arith.divf %add3A_175, %max3A_189 : vector<16x16xf32>
    %sub3A_191 = vector.broadcast %reduce_sum3A_184 : f32 to vector<16x16xf32>
    %sub3A_192 = arith.subf %sub3A_191, %add3A_175 : vector<16x16xf32>
    %max3A_193 = arith.constant 9.99999996E-13 : f32
    %max3A_194 = vector.broadcast %max3A_193 : f32 to vector<16x16xf32>
    %max3A_195 = arith.maximumf %sub3A_186, %max3A_194 : vector<16x16xf32>
    %div3A_196 = arith.divf %sub3A_192, %max3A_195 : vector<16x16xf32>
    %mul3A_197 = arith.mulf %add3A_168, %sub3A_186 : vector<16x16xf32>
    %sub3A_198 = arith.subf %div3A_190, %div3A_196 : vector<16x16xf32>
    %integer_pow3A = arith.mulf %sub3A_198, %sub3A_198 : vector<16x16xf32>
    %mul3A_199 = arith.mulf %mul3A_197, %integer_pow3A : vector<16x16xf32>
    %lt3A_200 = arith.constant 255 : i32
    %lt3A_201 = vector.broadcast %lt3A_200 : i32 to vector<16x16xi32>
    %lt3A_202 = arith.cmpi slt, %add3A_152, %lt3A_201 : vector<16x16xi32>
    %jit3A_203 = arith.constant -1.000000e+00 : f32
    %broadcast_in_dim3A_204 = vector.broadcast %jit3A_203 : f32 to vector<16x16xf32>
    %select_n3A_205 = arith.select %lt3A_202, %mul3A_199, %broadcast_in_dim3A_204 : vector<16x16xi1>, vector<16x16xf32>
    %reduce_max3A_206 = vector.shape_cast %select_n3A_205 : vector<16x16xf32> to vector<1x16x16xf32>
    %reduce_max3A_207 = arith.constant dense<0xFF800000> : vector<1xf32>
    %reduce_max3A_208 = vector.multi_reduction <maximumf>, %reduce_max3A_206, %reduce_max3A_207 [1, 2] : vector<1x16x16xf32> to vector<1xf32>
    %reduce_max3A_209 = vector.shape_cast %reduce_max3A_208 : vector<1xf32> to vector<1x1x1xf32>
    %reduce_max3A_210 = vector.extract %reduce_max3A_209[0, 0, 0] : f32 from vector<1x1x1xf32>
    %eq3A_211 = vector.broadcast %reduce_max3A_210 : f32 to vector<16x16xf32>
    %eq3A_212 = arith.cmpf oeq, %select_n3A_205, %eq3A_211 : vector<16x16xf32>
    %jit3A_213 = arith.constant 256 : i32
    %broadcast_in_dim3A_214 = vector.broadcast %jit3A_213 : i32 to vector<16x16xi32>
    %select_n3A_215 = arith.select %eq3A_212, %add3A_152, %broadcast_in_dim3A_214 : vector<16x16xi1>, vector<16x16xi32>
    %reduce_min3A_216 = vector.shape_cast %select_n3A_215 : vector<16x16xi32> to vector<1x16x16xi32>
    %reduce_min3A_217 = arith.constant dense<2147483647> : vector<1xi32>
    %reduce_min3A_218 = vector.multi_reduction <minsi>, %reduce_min3A_216, %reduce_min3A_217 [1, 2] : vector<1x16x16xi32> to vector<1xi32>
    %reduce_min3A_219 = vector.shape_cast %reduce_min3A_218 : vector<1xi32> to vector<1x1x1xi32>
    %reduce_min3A_220 = vector.extract %reduce_min3A_219[0, 0, 0] : i32 from vector<1x1x1xi32>
    %eq3A_221 = vector.broadcast %reduce_min3A_220 : i32 to vector<16x16xi32>
    %eq3A_222 = arith.cmpi eq, %add3A_152, %eq3A_221 : vector<16x16xi32>
    %jit3A_223 = arith.constant 0xFF800000 : f32
    %broadcast_in_dim3A_224 = vector.broadcast %jit3A_223 : f32 to vector<16x16xf32>
    %select_n3A_225 = arith.select %eq3A_222, %add3A_160, %broadcast_in_dim3A_224 : vector<16x16xi1>, vector<16x16xf32>
    %reduce_max3A_226 = vector.shape_cast %select_n3A_225 : vector<16x16xf32> to vector<1x16x16xf32>
    %reduce_max3A_227 = arith.constant dense<0xFF800000> : vector<1xf32>
    %reduce_max3A_228 = vector.multi_reduction <maximumf>, %reduce_max3A_226, %reduce_max3A_227 [1, 2] : vector<1x16x16xf32> to vector<1xf32>
    %reduce_max3A_229 = vector.shape_cast %reduce_max3A_228 : vector<1xf32> to vector<1x1x1xf32>
    %reduce_max3A_230 = vector.extract %reduce_max3A_229[0, 0, 0] : f32 from vector<1x1x1xf32>
    %gt3A = vector.broadcast %reduce_max3A_230 : f32 to vector<8x32768xf32>
    %gt3A_231 = arith.cmpf ogt, %get3A_3, %gt3A : vector<8x32768xf32>
    %jit3A_232 = arith.constant 2.550000e+02 : f32
    %jit3A_233 = arith.constant 0.000000e+00 : f32
    %broadcast_in_dim3A_234 = vector.broadcast %jit3A_232 : f32 to vector<8x32768xf32>
    %broadcast_in_dim3A_235 = vector.broadcast %jit3A_233 : f32 to vector<8x32768xf32>
    %select_n3A_236 = arith.select %gt3A_231, %broadcast_in_dim3A_234, %broadcast_in_dim3A_235 : vector<8x32768xi1>, vector<8x32768xf32>
    %swap3A = arith.constant 0 : index
    %swap3A_237 = arith.constant 0 : index
    %swap3A_238 = arith.constant 0 : index
    %swap3A_239 = vector.load %arg2[%swap3A, %swap3A_237, %swap3A_238] : memref<1x8x32768xf32, #tpu.memory_space<vmem>>, vector<1x8x32768xf32>
    %swap3A_240 = vector.shape_cast %swap3A_239 : vector<1x8x32768xf32> to vector<8x32768xf32>
    %swap3A_241 = vector.shape_cast %select_n3A_236 : vector<8x32768xf32> to vector<1x8x32768xf32>
    tpu.vector_store %arg2[%swap3A, %swap3A_237, %swap3A_238], %swap3A_241 {strides = array<i32>} : memref<1x8x32768xf32, #tpu.memory_space<vmem>>, vector<1x8x32768xf32>,
    return
  }
  func.func @transform_0(%arg0: i32) -> (i32, i32, i32) {
    %c0_i32 = arith.constant 0 : i32
    %c0_i32_0 = arith.constant 0 : i32
    %c0_i32_1 = arith.constant 0 : i32
    return %arg0, %c0_i32, %c0_i32_0 : i32, i32, i32
  }
  func.func @transform_1(%arg0: i32) -> (i32, i32, i32) {
    %c0_i32 = arith.constant 0 : i32
    %c0_i32_0 = arith.constant 0 : i32
    %c0_i32_1 = arith.constant 0 : i32
    return %arg0, %c0_i32, %c0_i32_0 : i32, i32, i32
  }
}

</mosaic_0001>

<sc_bundles>
// kernel: sparse-core-data-format-call.cloned.1.call-start
scs
called_computation_lowered:
.L_overlay_start_0:
0x0: {  	s1 =	sld [smem:$0x3FD9]  }
0x1: {  	s2 =	sld [smem:$0x3FFE];
	_ =	sdelay $0x1  }
0x2: {  	s3 =	srdreg.scid  }
0x3: {  	s0 =	sand.u32 $0x1, s3  }
0x4: {  	s17 =	sshll.u32 s0, $0xA;
	s1 =	sadd.s32 s2, s1  }
0x5: {  	s1 =	sadd.s32 s1, s17  }
0x6: {  	[smem:$0x3FC7] =	sst s1  }
0x7: {  	_ = 	snop  }
0x8: {  	(tm) =	ssettm $0x1  }
0x9: {  	s18 =	sld [smem:$0x3FFB];
	_ =	sdelay $0x3  }
0xa: {  	_ =	strace s18  }
0xb: {  	s1 =	sld [smem:$0x3FFC];
	_ =	sdelay $0x3  }
0xc: {  	_ =	strace s1  }
0xd: {  	s1 =	sld [smem:$0x3FFD];
	_ =	sdelay $0x3  }
0xe: {  	_ =	strace s1  }
0xf: {  	_ =	strace $0x8FFFFFFF  }
0x10: {  	s19 =	sld [smem:$0x3FDB];
	_ =	sdelay $0x1  }
0x11: {  	s20 =	simm.s32 $_scs_section_size  }
0x12: {  	s4 =	simm.s32 $_size__tile_overlayer_lowered;
	s5 =	simm.s32 $_tile_overlayer_lowered  }
0x13: {  	s23 =	simm.s32 $0x1BFF;
	s22 =	sshll.u32 s5, $0x1;
	s1 =	sadd.s32 s20, s19  }
0x14: {  	s6 =	simm.s32 $0x0;
	s21 =	sshll.u32 s4, $0x1;
	s4 =	sadd.s32 s22, s1  }
0x15: {  	[timem:s6], [sflag:s23] =	dma.local [hbm:s4], s21  }
0x16: {  	_ =	swait.ge [sflag:s23], s21  }
0x17: {  	s2 =	ssub.s32 $0x0, s21;
	[sflag:s23] =	ssyncset.done $0x0  }
0x18: {  	[sflag:s23] =	ssyncadd.s32 s2;
	_ =	sdelay $0x1  }
0x19: {  	s24 =	simm.s32 $0x1B8B  }
0x1a: {  	_ =	swait.ge [sflag:s24], $0x1  }
0x1b: {  	[sflag:s24] =	ssyncset.done $0x0  }
0x1c: {  	s26 =	simm.s32 $0x1B8E;
	s25 =	sld [smem:$0x3FFE];
	[sflag:s24] =	ssyncadd.s32 $0xFFFFFFFF  }
0x1d: {  	s27 =	simm.s32 $execute0_lowered;
	[smem:$0x3FD2] =	sst s26  }
0x1e: {  	s4 =	sshll.u32 s27, $0x1;
	_ =	strace $0x80000046;
	[dreg:$0x1] =	wrdreg $0xFFFFFFFF  }
0x1f: {  	s28 =	simm.s32 $_size_execute0_lowered;
	s1 =	sadd.s32 s1, s4;
	[dreg:$0x0] =	wrdreg $0x0  }
0x20: {  	s4 =	sshll.u32 s28, $0x1;
	[dreg:$0x2] =	wrdreg s1  }
0x21: {  	[dreg:$0x3] =	wrdreg s4  }
0x22: {  	[dreg:$0x4] =	wrdreg $0xC0  }
0x23: {  	_ =	task [dreg:s6], $0x5FFFF  }
0x24: {  	[dreg:$0x1] =	wrdreg $0xFFFFFFFF  }
0x25: {  	[dreg:$0x0] =	wrdreg $0x60  }
0x26: {  	[dreg:$0x2] =	wrdreg s25  }
0x27: {  	[dreg:$0x3] =	wrdreg $0x9  }
0x28: {  	_ =	task.clear_ibuf [dreg:s6], $0x4FFFF;
	_ =	strace $0x90000046  }
0x29: {  	s29 =	simm.s32 $0x9;
	_ =	strace $0x80000048  }
0x2a: {  	_ =	swait.ge [sflag:s29], $0x1  }
0x2b: {  	[sflag:s29] =	ssyncadd.s32 $0xFFFFFFFF  }
0x2c: {  	_ =	strace $0x90000048  }
0x2d: {  	_ =	sfence  }
0x2e: {  	s30 =	sld [smem:$0x0];
	_ =	sdelay $0x2  }
0x2f: {  	s31 =	sshll.u32 s3, $0xD;
	s3 =	sshrl.u32 s3, $0x2  }
0x30: {  	s2 =	sand.u32 $0x4000, s31;
	s1 =	sadd.s32 s3, s30  }
0x31: {  	s0 =	sor.u32 s2, s0;
	s1 =	sshll.u32 s1, $0x11  }
0x32: {  	s0 =	sor.u32 s1, s0  }
0x33: {  	s0 =	sadd.s32 $0x8F2B, s0  }
0x34: {  	[sflag:s0] =	ssyncadd.remote.s32 $0x1  }
0x35: {  	_ =	sfence.sel $0xFFFF  }
0x36: {  	[dreg:$0x0] =	wrdreg $0xFFFFFFFF;
	(pc) =	sbr.abs _section_cstart, $3  }
0x37: {  	[dreg:$0x1] =	wrdreg $0xFFFFFFFF  }
0x38: {  	_ =	task.clear_ibuf [dreg:s6], $0x2FFFF;
	_ =	strace $0x9FFFFFFF  }
0x39: {  	(tm) =	ssettm $0x7FFFFFFF  }
tec
execute0_lowered:
.L_overlay_start_1:
0x0: {  	(tag) =	ssettag $0x1  }
0x1: {  	s1 =	rddreg [dreg:$0x0]  }
0x2: {  	s0 =	rddreg [dreg:$0x1]  }
0x3: {  	_ =	strace $0x80000047;
	s4 =	srdreg.scid;
	s6 =	simm.s32 $0x2  }
0x4: {  	s10 =	simm.s32 $0x0;
	p0 =	por $0x0, $0x0;
	s12 =	simm.s32 $0x0  }
.Ltmp0:
0x5: {  	s11 =	simm.s32 $0x0;
	s7 =	simm.s32 $0x0;
	(pc) =	sbr.rel .LBB1_1-.Ltmp0, $4  }
0x6: {  	s2 =	sadd.s32 $0x600, s1;
	s3 =	sadd.s32 $0x100600, s1;
	s5 =	sshll.u32 s4, $0x4  }
0x7: {  	s1 =	stileid.u32;
	s4 =	simm.s32 $0x1;
	s5 =	sand.u32 $0x10, s5  }
0x8: {  	s8 =	simm.s32 $0x0;
	[sflag:s4] =	ssyncpa.u1 $0x0;
	s5 =	sor.u32 s1, s5  }
0x9: {  	[sflag:s6] =	ssyncpa.u1 $0x0;
	s6 =	simm.s32 $0x0;
	s9 =	smov.u32 s5  }
.LBB1_7:
0xa: {  	s13 =	sadd.s32 $0x800, s7  }
0xb: {  	s10 =	sadd.s32 $0x8, s8;
	s14 =	smov.u32 s8;
	p2 =	sgt.s32 s13, $0x7FFF  }
0xc: {  	s14 =	smov.u32 @p2 s10  }
0xd: {  	s16 =	smov.u32 s9;
	s10 =	sadd.s32 $0x20, s9;
	p3 =	sgt.s32 s14, $0x7  }
0xe: {  	p1 =	slt.u32 s6, $0x2;
	s16 =	smov.u32 @p3 s10  }
0xf: {  	s6 =	sadd.s32 $0x1, s6;
	s13 =	simm.s32 @p2 $0x0;
	p2 =	sgt.s32 s16, $0x1F  }
0x10: {  	s16 =	smov.u32 @p2 s5;
	p2 =	sne.s32 s6, $0x12  }
.Ltmp1:
0x11: {  	s15 =	simm.s32 @!p1 $0x2;
	(pc) =	sbr.rel @!p2 .LBB1_8-.Ltmp1, $4  }
0x12: {  	s12 =	smov.u32 s8;
	_ =	swait.ge @!p1 [sflag:s15], $0x4000  }
0x13: {  	s11 =	smov.u32 s9;
	p0 =	por !p0, !p0;
	[sflag:s15] =	ssyncset.done @!p1 $0x0  }
0x14: {  	s14 =	simm.s32 @p3 $0x0;
	s10 =	smov.u32 s7;
	[sflag:s15] =	ssyncadd.s32 @!p1 $0xFFFFC000  }
0x15: {  	s7 =	smov.u32 s13;
	s8 =	smov.u32 s14;
	s9 =	smov.u32 s16  }
.LBB1_1:
0x16: {  	p1 =	sgt.u32 s6, $0xF  }
0x17: {  	s13 =	sxor.u32 @!p1 $0xFFFFFFFF, s6;
	s14 =	sshll.u32 @!p1 s9, $0xF  }
0x18: {  	s15 =	sshll.u32 @!p1 s8, $0xC;
	s16 =	sshrl.u32 @!p1 s7, $0x3;
	s14 =	sadd.s32 @!p1 s2, s14  }
0x19: {  	s13 =	sshll.u32 @!p1 s13, $0xE;
	s14 =	sadd.s32 @!p1 s15, s14;
	s15 =	sand.u32 @!p1 $0x7, s7  }
0x1a: {  	s16 =	sand.u32 @!p1 $0xFFF, s16;
	s13 =	sand.u32 @!p1 $0x4000, s13;
	s15 =	sshll.u32 @!p1 s15, $0x12  }
0x1b: {  	s14 =	sadd.s32 @!p1 s16, s14;
	s16 =	simm.s32 @!p1 $0x8000;
	s15 =	sor.u32 @!p1 $0x800, s15  }
0x1c: {  	[tilespmem:s13], [sflag:$0x1] =	stream.strided.gather @!p1 [hbm4b:s14+s15], $0x4000, s16, s15, $0x38;
	[tilespmem:$0x10000] =	vst v63  }
0x1d: {  	p1 =	seq.s32 s6, $0x0  }
0x1e: {  	p2 =	seq.s32 @!p1 s6, $0x11  }
0x1f: {  	p1 =	por p1, p2  }
.Ltmp2:
0x20: {  	_ = 	snop;
	(pc) =	sbr.rel @p1 .LBB1_7-.Ltmp2, $1  }
0x21: {  	_ =	sdelay $0x3  }
0x22: {  	s13 =	simm.s32 $0x1;
	_ =	swait.ge [sflag:s4], $0x4000;
	s16 =	sshll.u32 s6, $0xE  }
0x23: {  	s13 =	simm.s32 @!p0 $0x0;
	[sflag:s4] =	ssyncset.done $0x0;
	s31 =	sand.u32 $0x4000, s16  }
0x24: {  	s16 =	simm.s32 $0x0;
	s13 =	sshll.u32 s13, $0xE;
	[sflag:s4] =	ssyncadd.s32 $0xFFFFC000  }
0x25: {  	s14 =	sor.u32 $0x100, s13;
	s15 =	sor.u32 $0x8800, s13;
	s13 =	sor.u32 $0x8000, s31  }
.LBB1_3:
0x26: {  	v0 =	vld [tilespmem:s14+$0xF0]  }
0x27: {  	v1 =	vld [tilespmem:s14+$0xFFFFFF10]  }
0x28: {  	v2 =	vld [tilespmem:s14+$0xFFFFFF20]  }
0x29: {  	v3 =	vld [tilespmem:s14+$0xFFFFFF30]  }
0x2a: {  	v4 =	vld [tilespmem:s14+$0xFFFFFF40]  }
0x2b: {  	v5 =	vld [tilespmem:s14+$0xFFFFFF50];
	[tilespmem:s15+$0x470] =	vst v0  }
0x2c: {  	[tilespmem:s15+$0xFFFFF810] =	vst v1;
	v0 =	vld [tilespmem:s14+$0xFFFFFF60]  }
0x2d: {  	[tilespmem:s15+$0xFFFFF820] =	vst v2;
	v1 =	vld [tilespmem:s14+$0xFFFFFF70]  }
0x2e: {  	[tilespmem:s15+$0xFFFFF830] =	vst v3;
	v2 =	vld [tilespmem:s14+$0xFFFFFF80]  }
0x2f: {  	[tilespmem:s15+$0xFFFFF840] =	vst v4;
	v3 =	vld [tilespmem:s14+$0xFFFFFF90]  }
0x30: {  	[tilespmem:s15+$0xFFFFF850] =	vst v5;
	v4 =	vld [tilespmem:s14+$0xFFFFFFA0]  }
0x31: {  	v5 =	vld [tilespmem:s14+$0xA0];
	[tilespmem:s15+$0xFFFFF860] =	vst v0  }
0x32: {  	v0 =	vld [tilespmem:s14+$0xFFFFFFB0];
	[tilespmem:s15+$0xFFFFF870] =	vst v1  }
0x33: {  	v1 =	vld [tilespmem:s14+$0xFFFFFFC0];
	[tilespmem:s15+$0xFFFFFC00] =	vst v2  }
0x34: {  	[tilespmem:s15+$0xFFFFFC10] =	vst v3;
	v3 =	vld [tilespmem:s14+$0xFFFFFFE0]  }
0x35: {  	[tilespmem:s15+$0xFFFFFC20] =	vst v4;
	v4 =	vld [tilespmem:s14+$0xFFFFFFF0]  }
0x36: {  	v2 =	vld [tilespmem:s14+$0xFFFFFFD0];
	[tilespmem:s15+$0x420] =	vst v5  }
0x37: {  	[tilespmem:s15+$0xFFFFFC30] =	vst v0;
	v0 =	vld [tilespmem:s14+$0x0]  }
0x38: {  	[tilespmem:s15+$0xFFFFFC40] =	vst v1;
	v1 =	vld [tilespmem:s14+$0x10]  }
0x39: {  	[tilespmem:s15+$0xFFFFFC60] =	vst v3;
	v3 =	vld [tilespmem:s14+$0x30]  }
0x3a: {  	[tilespmem:s15+$0xFFFFFC70] =	vst v4;
	v4 =	vld [tilespmem:s14+$0x40]  }
0x3b: {  	[tilespmem:s15+$0xFFFFFC50] =	vst v2;
	v2 =	vld [tilespmem:s14+$0x20]  }
0x3c: {  	[tilespmem:s15+$0x0] =	vst v0;
	v0 =	vld [tilespmem:s14+$0x50]  }
0x3d: {  	[tilespmem:s15+$0x10] =	vst v1;
	v1 =	vld [tilespmem:s14+$0x60]  }
0x3e: {  	[tilespmem:s15+$0x30] =	vst v3;
	v3 =	vld [tilespmem:s14+$0x80]  }
0x3f: {  	[tilespmem:s15+$0x40] =	vst v4;
	v4 =	vld [tilespmem:s14+$0x90]  }
0x40: {  	[tilespmem:s15+$0x20] =	vst v2;
	v2 =	vld [tilespmem:s14+$0x70]  }
0x41: {  	[tilespmem:s15+$0x50] =	vst v0;
	v0 =	vld [tilespmem:s14+$0xB0]  }
0x42: {  	[tilespmem:s15+$0x60] =	vst v1;
	v1 =	vld [tilespmem:s14+$0xC0]  }
0x43: {  	[tilespmem:s15+$0x400] =	vst v3;
	v3 =	vld [tilespmem:s14+$0xD0]  }
0x44: {  	[tilespmem:s15+$0x410] =	vst v4;
	v4 =	vld [tilespmem:s14+$0xE0]  }
0x45: {  	s18 =	simm.s32 $0x0;
	s19 =	sadd.s32 $0x200, s14;
	s17 =	smov.u32 s15;
	[tilespmem:s15+$0x70] =	vst v2;
	v2 =	vld [tilespmem:s14+$0xFFFFFF00]  }
.LBB1_4:
0x46: {  	v5 =	vld [tilespmem:s19+$0xF0];
	s18 =	sadd.s32 $0x200, s18;
	[tilespmem:s17+$0x430] =	vst v0  }
0x47: {  	v0 =	vld [tilespmem:s19+$0xFFFFFF10];
	p1 =	slt.u32 s18, $0x600;
	[tilespmem:s17+$0x440] =	vst v1  }
0x48: {  	v1 =	vld [tilespmem:s19+$0xFFFFFF20];
	[tilespmem:s17+$0x450] =	vst v3  }
0x49: {  	v3 =	vld [tilespmem:s19+$0xFFFFFF30];
	[tilespmem:s17+$0x460] =	vst v4  }
0x4a: {  	v4 =	vld [tilespmem:s19+$0xFFFFFF40];
	[tilespmem:s17+$0xFFFFF800] =	vst v2;
	s17 =	sadd.s32 $0x1000, s17  }
0x4b: {  	v2 =	vld [tilespmem:s19+$0xFFFFFF50];
	[tilespmem:s17+$0x470] =	vst v5  }
0x4c: {  	[tilespmem:s17+$0xFFFFF810] =	vst v0;
	v0 =	vld [tilespmem:s19+$0xFFFFFF60]  }
0x4d: {  	[tilespmem:s17+$0xFFFFF820] =	vst v1;
	v1 =	vld [tilespmem:s19+$0xFFFFFF70]  }
0x4e: {  	[tilespmem:s17+$0xFFFFF830] =	vst v3;
	v3 =	vld [tilespmem:s19+$0xFFFFFF80]  }
0x4f: {  	[tilespmem:s17+$0xFFFFF840] =	vst v4;
	v4 =	vld [tilespmem:s19+$0xFFFFFF90]  }
0x50: {  	[tilespmem:s17+$0xFFFFF850] =	vst v2;
	v2 =	vld [tilespmem:s19+$0xFFFFFFA0]  }
0x51: {  	[tilespmem:s17+$0xFFFFF860] =	vst v0;
	v0 =	vld [tilespmem:s19+$0xFFFFFFB0]  }
0x52: {  	[tilespmem:s17+$0xFFFFF870] =	vst v1;
	v1 =	vld [tilespmem:s19+$0xFFFFFFC0]  }
0x53: {  	[tilespmem:s17+$0xFFFFFC00] =	vst v3;
	v3 =	vld [tilespmem:s19+$0xFFFFFFD0]  }
0x54: {  	[tilespmem:s17+$0xFFFFFC10] =	vst v4;
	v4 =	vld [tilespmem:s19+$0xFFFFFFE0]  }
0x55: {  	[tilespmem:s17+$0xFFFFFC20] =	vst v2;
	v2 =	vld [tilespmem:s19+$0xFFFFFFF0]  }
0x56: {  	[tilespmem:s17+$0xFFFFFC30] =	vst v0;
	v0 =	vld [tilespmem:s19+$0x0]  }
0x57: {  	[tilespmem:s17+$0xFFFFFC40] =	vst v1;
	v1 =	vld [tilespmem:s19+$0x10]  }
0x58: {  	[tilespmem:s17+$0xFFFFFC50] =	vst v3;
	v3 =	vld [tilespmem:s19+$0x20]  }
0x59: {  	[tilespmem:s17+$0xFFFFFC60] =	vst v4;
	v4 =	vld [tilespmem:s19+$0x30]  }
0x5a: {  	[tilespmem:s17+$0xFFFFFC70] =	vst v2;
	v2 =	vld [tilespmem:s19+$0x40]  }
0x5b: {  	[tilespmem:s17+$0x0] =	vst v0;
	v0 =	vld [tilespmem:s19+$0x50]  }
0x5c: {  	[tilespmem:s17+$0x10] =	vst v1;
	v1 =	vld [tilespmem:s19+$0x60]  }
0x5d: {  	[tilespmem:s17+$0x20] =	vst v3;
	v3 =	vld [tilespmem:s19+$0x70]  }
0x5e: {  	[tilespmem:s17+$0x30] =	vst v4;
	v4 =	vld [tilespmem:s19+$0x80]  }
0x5f: {  	[tilespmem:s17+$0x40] =	vst v2;
	v2 =	vld [tilespmem:s19+$0x90]  }
0x60: {  	[tilespmem:s17+$0x50] =	vst v0;
	v5 =	vld [tilespmem:s19+$0xA0]  }
.Ltmp3:
0x61: {  	[tilespmem:s17+$0x60] =	vst v1;
	v0 =	vld [tilespmem:s19+$0xB0];
	(pc) =	sbr.rel @p1 .LBB1_4-.Ltmp3, $4  }
0x62: {  	[tilespmem:s17+$0x70] =	vst v3;
	v1 =	vld [tilespmem:s19+$0xC0]  }
0x63: {  	[tilespmem:s17+$0x400] =	vst v4;
	v3 =	vld [tilespmem:s19+$0xD0]  }
0x64: {  	[tilespmem:s17+$0x410] =	vst v2;
	v4 =	vld [tilespmem:s19+$0xE0]  }
0x65: {  	v2 =	vld [tilespmem:s19+$0xFFFFFF00];
	[tilespmem:s17+$0x420] =	vst v5;
	s19 =	sadd.s32 $0x200, s19  }
0x66: {  	s16 =	sadd.s32 $0x1, s16  }
0x67: {  	p1 =	sne.s32 s16, $0x8  }
.Ltmp4:
0x68: {  	[tilespmem:s17+$0x430] =	vst v0;
	(pc) =	sbr.rel @p1 .LBB1_3-.Ltmp4, $4  }
0x69: {  	[tilespmem:s17+$0x440] =	vst v1  }
0x6a: {  	[tilespmem:s17+$0x450] =	vst v3  }
0x6b: {  	[tilespmem:s17+$0x460] =	vst v4  }
0x6c: {  	s14 =	sadd.s32 $0x800, s14;
	s15 =	sadd.s32 $0x80, s15;
	[tilespmem:s17+$0xFFFFF800] =	vst v2  }
0x6d: {  	s12 =	sshll.u32 s12, $0x7;
	s14 =	sand.u32 $0x78, s10  }
0x6e: {  	s15 =	sshll.u32 s10, $0x3;
	s11 =	sshll.u32 s11, $0xF;
	s12 =	sand.u32 $0x380, s12  }
.Ltmp5:
0x6f: {  	s15 =	sand.u32 $0x7C00, s15;
	s12 =	sor.u32 s12, s14;
	(pc) =	sbr.rel .LBB1_7-.Ltmp5, $4  }
0x70: {  	s30 =	sand.u32 $0x7000, s10;
	s11 =	sadd.s32 s3, s11;
	s12 =	sor.u32 s15, s12  }
0x71: {  	s11 =	sadd.s32 s30, s11;
	s12 =	sshrl.u32 s12, $0x3  }
0x72: {  	s31 =	sand.u32 $0x7, s10;
	s11 =	sadd.s32 s12, s11  }
0x73: {  	[hbm4b:s11+s31] =	stream.linear.scatter [tilespmem:s13], [sflag:$0x2], $0x4000, $0x38;
	[tilespmem:$0x10000] =	vst v63  }
.LBB1_8:
0x74: {  	_ =	sfence.sel $0x180000  }
0x75: {  	s2 =	simm.s32 $0x1;
	[bflag:$0x0] =	sbarrier.arrive $0xFFFF  }
0x76: {  	s31 =	simm.s32 $0x2;
	[sflag:s2] =	ssyncpa.u1 $0x1  }
0x77: {  	[sflag:s31] =	ssyncpa.u1 $0x1  }
0x78: {  	p0 =	sne.s32 s1, $0x0;
	_ =	strace $0x90000047  }
0x79: {  	s0 =	sadd.s32 @!p0 $0x100000, s0;
	[bflag:$0x2] =	sbarrier.arrive $0xFFFF  }
0x7a: {  	[sflag:s0] =	ssyncadd.tile.s32 @!p0 $0x1;
	_ =	shalt  }
.Lfunc_end1:
_tile_overlayer_lowered:
.L_overlay_start_2:
0x7b: {  	(tag) =	ssettag $0x2  }
0x7c: {  	s0 =	rddreg [dreg:$0x0];
	s2 =	stileid.u32  }
0x7d: {  	s1 =	rddreg [dreg:$0x1];
	p0 =	sne.s32 s2, $0x0  }
0x7e: {  	s3 =	rddreg [dreg:$0x2];
	[bflag:$0x3] =	sbarrier.arrive $0xFFFF;
	s2 =	simm.s32 @!p0 $0x1C01  }
0x7f: {  	[timem:s3], [sflag:s2] =	dma.local @!p0 [hbm:s0], s1  }
0x80: {  	s0 =	simm.s32 @!p0 $0x1  }
0x81: {  	_ =	swait.ge @!p0 [sflag:s0], s1  }
0x82: {  	s1 =	ssub.s32 @!p0 $0x0, s1;
	[sflag:s0] =	ssyncset.done @!p0 $0x0  }
0x83: {  	[sflag:s0] =	ssyncadd.s32 @!p0 s1  }
0x84: {  	[bflag:$0x3] =	sbarrier.arrive $0xFFFF  }
0x85: {  	_ =	shalt  }

</sc_bundles>
